<compile_context>
chip_gen: v7x
topology: tpu7x:2x2x1
jax: 0.10.2.dev20260603
libtpu: 0.0.44.dev20260713+nightly
codegen_flags: <defaults>
</compile_context>

<pallas_src>
import functools

import jax
import jax.numpy as jnp
from jax import lax
from jax.experimental import pallas as pl
from jax.experimental.pallas import tpu as pltpu, tpu_sc as plsc

_NC = 2
_NS = 16
_NW = _NC * _NS
_PIECE = 4096
_H0 = 49920


def _make_sc_kernel(num_fields, batch, vocab, dim):
    assert dim == _NW and batch % _PIECE == 0
    npiece = batch // _PIECE
    v_main = vocab // 128 * 128
    h1_len = v_main - _H0
    h1_alloc = h1_len + 128

    mesh = plsc.VectorSubcoreMesh(core_axis_name="c", subcore_axis_name="s")

    @functools.partial(
        pl.kernel,
        mesh=mesh,
        out_type=jax.ShapeDtypeStruct((dim, batch), jnp.float32),
        compiler_params=pltpu.CompilerParams(
            use_tc_tiling_on_sc=True, needs_layout_passes=False
        ),
        scratch_types=dict(
            slab_v=pltpu.VMEM((_H0 + h1_alloc,), jnp.float32),
            idx_vs=[pltpu.VMEM((_PIECE,), jnp.int32) for _ in range(2)],
            acc_v=pltpu.VMEM((batch,), jnp.float32),
            slab_sems=[pltpu.SemaphoreType.DMA for _ in range(2)],
            idx_sems=[pltpu.SemaphoreType.DMA for _ in range(2)],
        ),
    )
    def sc_kernel(
        idx_hbm,
        tabt_hbm,
        tail_hbm,
        out_hbm,
        *,
        slab_v,
        idx_vs,
        acc_v,
        slab_sems,
        idx_sems,
    ):
        e = lax.axis_index("s") * _NC + lax.axis_index("c")

        def h0_copy(f):
            return pltpu.make_async_copy(
                tabt_hbm.at[f, e, pl.ds(0, _H0)],
                slab_v.at[pl.ds(0, _H0)],
                slab_sems[0],
            )

        def h1_copy(f):
            return pltpu.make_async_copy(
                tabt_hbm.at[f, e, pl.ds(_H0, h1_len)],
                slab_v.at[pl.ds(_H0, h1_len)],
                slab_sems[1],
            )

        def tail_copy(f):
            return pltpu.make_async_copy(
                tail_hbm.at[f, e],
                slab_v.at[pl.ds(_H0 + h1_len, 128)],
                slab_sems[1],
            )

        def idx_copy(f, p, buf):
            return pltpu.make_async_copy(
                idx_hbm.at[pl.ds(f * batch + p * _PIECE, _PIECE)],
                idx_vs[buf],
                idx_sems[buf],
            )

        h0_copy(0).start()
        h1_copy(0).start()
        tail_copy(0).start()
        idx_copy(0, 0, 0).start()

        zero = jnp.zeros((16,), jnp.float32)

        @pl.loop(0, batch // 16)
        def _(r):
            acc_v[pl.ds(r * 16, 16)] = zero

        @pl.loop(0, num_fields)
        def _(f):
            h0_copy(f).wait()
            h1_copy(f).wait()
            tail_copy(f).wait()

            for p in range(npiece):
                pb = p % 2
                nb = (p + 1) % 2
                idx_copy(f, p, pb).wait()
                if p < npiece - 1:
                    idx_copy(f, p + 1, nb).start()
                else:

                    @pl.when(f < num_fields - 1)
                    def _():
                        idx_copy(f + 1, 0, nb).start()

                @plsc.parallel_loop(0, _PIECE // 16, unroll=8)
                def _(i):
                    iv = idx_vs[pb][pl.ds(i * 16, 16)]
                    g = plsc.load_gather(slab_v, [iv])
                    plsc.addupdate(acc_v.at[pl.ds(p * _PIECE + i * 16, 16)], g)

            @pl.when(f < num_fields - 1)
            def _():
                h0_copy(f + 1).start()
                h1_copy(f + 1).start()
                tail_copy(f + 1).start()

        pltpu.sync_copy(acc_v, out_hbm.at[e])

    return sc_kernel


def kernel(categorical_inputs, tables):
    num_fields, batch = categorical_inputs.shape
    _, vocab, dim = tables.shape
    v_main = vocab // 128 * 128

    tables_t = jnp.transpose(tables, (0, 2, 1))
    tail = jnp.pad(tables_t[:, :, v_main:], ((0, 0), (0, 0), (0, 128 - (vocab - v_main))))

    sc = _make_sc_kernel(num_fields, batch, vocab, dim)
    out_t = sc(categorical_inputs.reshape(-1), tables_t, tail)
    return out_t.T

# --- scband reference (transcript-rebuilt; emitter-appended) ---
"""Pipeline reference for scband-sum-categorical-feature-embedder-69260642615893 (READ-ONLY COPY).

The authoritative reference and input builder live on the scoring server;
editing this copy changes nothing except your own understanding.
"""

import jax, jax.numpy as jnp
import numpy as np

NUM_FIELDS = 26
VOCAB = 100000
EMBED_DIM = 32
BATCH = 16384


def setup_inputs(seed: int = 0) -> dict:
    key = jax.random.key(seed)
    k_idx, k_tab = jax.random.split(key)
    # categorical_inputs: one row per sparse field, iterating yields [BATCH] index vectors
    categorical_inputs = jax.random.randint(
        k_idx, (NUM_FIELDS, BATCH), 0, VOCAB, dtype=jnp.int32
    )
    # One embedding table per field, stacked: [NUM_FIELDS, VOCAB, EMBED_DIM]
    tables = (
        jax.random.normal(k_tab, (NUM_FIELDS, VOCAB, EMBED_DIM), dtype=jnp.float32)
        * 0.02
    )
    return {"categorical_inputs": categorical_inputs, "tables": tables}


def reference(categorical_inputs, tables):
    # Faithful translation of SumCategoricalFeatureEmbedder.forward:
    # embedded = [emb_i(input_i) for each field]; return sum(embedded)
    out = jnp.zeros((categorical_inputs.shape[1], EMBED_DIM), dtype=tables.dtype)
    for i in range(NUM_FIELDS):
        gathered = jnp.take(tables[i], categorical_inputs[i], axis=0)  # [BATCH, EMBED_DIM]
        out = out + gathered
    return out

if __name__ == "__main__":
    import jax
    _d = setup_inputs()
    print(jax.jit(kernel)(*tuple(_d.values())))

</pallas_src>

<mosaic_0001>
#map = affine_map<(d0, d1) -> (0)>
#map1 = affine_map<(d0, d1) -> (0, 0, 0)>
#map2 = affine_map<(d0, d1) -> (0, 0)>
module attributes {stable_mosaic.version = 14 : i64} {
  func.func @sc_kernel(%arg0: i32, %arg1: i32, %arg2: memref<425984xi32, #tpu.memory_space<hbm>>, %arg3: memref<26x32x100000xf32, #tpu.memory_space<hbm>>, %arg4: memref<26x32x128xf32, #tpu.memory_space<hbm>>, %arg5: memref<32x16384xf32, #tpu.memory_space<hbm>>, %arg6: memref<16384xf32, #tpu.memory_space<vmem>>, %arg7: memref<!tpu.dma_semaphore, #tpu.memory_space<semaphore_mem>>, %arg8: memref<!tpu.dma_semaphore, #tpu.memory_space<semaphore_mem>>, %arg9: memref<4096xi32, #tpu.memory_space<vmem>>, %arg10: memref<4096xi32, #tpu.memory_space<vmem>>, %arg11: memref<!tpu.dma_semaphore, #tpu.memory_space<semaphore_mem>>, %arg12: memref<!tpu.dma_semaphore, #tpu.memory_space<semaphore_mem>>, %arg13: memref<100096xf32, #tpu.memory_space<vmem>>) attributes {dimension_semantics = [#tpu.dimension_semantics<core_parallel>, #tpu.dimension_semantics<subcore_parallel>], iteration_bounds = array<i64: 2, 16>, scalar_prefetch = 0 : i64, scratch_operands = 8 : i64, tpu.core_type = #tpu.core_type<sc_vector_subcore>, window_params = [{transform_indices = #map}, {transform_indices = #map1}, {transform_indices = #map1}, {transform_indices = #map2}]} {
    %mul3A = arith.constant 2 : i32
    %mul3A_0 = arith.muli %arg1, %mul3A : i32
    %add3A = arith.addi %mul3A_0, %arg0 : i32
    %dma_start3A = arith.constant 0 : i32
    %dma_start3A_1 = arith.constant 0 : i32
    %dma_start3A_2 = tpu.memref_slice %arg13[%dma_start3A_1] : memref<100096xf32, #tpu.memory_space<vmem>> -> memref<49920xf32, #tpu.memory_space<vmem>>
    %dma_start3A_3 = arith.constant 0 : i32
    %dma_start3A_4 = tpu.memref_slice %arg3[%dma_start3A, %add3A, %dma_start3A_3] : memref<26x32x100000xf32, #tpu.memory_space<hbm>> -> memref<1x1x49920xf32, #tpu.memory_space<hbm>>
    %dma_start3A_5 = tpu.memref_squeeze %dma_start3A_4 : memref<1x1x49920xf32, #tpu.memory_space<hbm>> -> memref<49920xf32, #tpu.memory_space<hbm>>
    %dma_start3A_6 = arith.constant 0 : i32
    %dma_start3A_7 = tpu.memref_slice %arg13[%dma_start3A_6] : memref<100096xf32, #tpu.memory_space<vmem>> -> memref<49920xf32, #tpu.memory_space<vmem>>
    %dma_start3A_8 = arith.constant 0 : i32
    %dma_start3A_9 = tpu.memref_slice %arg3[%dma_start3A, %add3A, %dma_start3A_8] : memref<26x32x100000xf32, #tpu.memory_space<hbm>> -> memref<1x1x49920xf32, #tpu.memory_space<hbm>>
    %dma_start3A_10 = tpu.memref_squeeze %dma_start3A_9 : memref<1x1x49920xf32, #tpu.memory_space<hbm>> -> memref<49920xf32, #tpu.memory_space<hbm>>
    tpu.enqueue_dma source(%dma_start3A_10 : memref<49920xf32, #tpu.memory_space<hbm>>) target(%dma_start3A_7 : memref<49920xf32, #tpu.memory_space<vmem>>) target_semaphore(%arg11 : memref<!tpu.dma_semaphore, #tpu.memory_space<semaphore_mem>>)
    %dma_start3A_11 = arith.constant 0 : i32
    %dma_start3A_12 = arith.constant 49920 : i32
    %dma_start3A_13 = tpu.memref_slice %arg13[%dma_start3A_12] : memref<100096xf32, #tpu.memory_space<vmem>> -> memref<50048xf32, #tpu.memory_space<vmem>>
    %dma_start3A_14 = arith.constant 49920 : i32
    %dma_start3A_15 = tpu.memref_slice %arg3[%dma_start3A_11, %add3A, %dma_start3A_14] : memref<26x32x100000xf32, #tpu.memory_space<hbm>> -> memref<1x1x50048xf32, #tpu.memory_space<hbm>>
    %dma_start3A_16 = tpu.memref_squeeze %dma_start3A_15 : memref<1x1x50048xf32, #tpu.memory_space<hbm>> -> memref<50048xf32, #tpu.memory_space<hbm>>
    %dma_start3A_17 = arith.constant 49920 : i32
    %dma_start3A_18 = tpu.memref_slice %arg13[%dma_start3A_17] : memref<100096xf32, #tpu.memory_space<vmem>> -> memref<50048xf32, #tpu.memory_space<vmem>>
    %dma_start3A_19 = arith.constant 49920 : i32
    %dma_start3A_20 = tpu.memref_slice %arg3[%dma_start3A_11, %add3A, %dma_start3A_19] : memref<26x32x100000xf32, #tpu.memory_space<hbm>> -> memref<1x1x50048xf32, #tpu.memory_space<hbm>>
    %dma_start3A_21 = tpu.memref_squeeze %dma_start3A_20 : memref<1x1x50048xf32, #tpu.memory_space<hbm>> -> memref<50048xf32, #tpu.memory_space<hbm>>
    tpu.enqueue_dma source(%dma_start3A_21 : memref<50048xf32, #tpu.memory_space<hbm>>) target(%dma_start3A_18 : memref<50048xf32, #tpu.memory_space<vmem>>) target_semaphore(%arg12 : memref<!tpu.dma_semaphore, #tpu.memory_space<semaphore_mem>>)
    %dma_start3A_22 = arith.constant 0 : i32
    %dma_start3A_23 = arith.constant 99968 : i32
    %dma_start3A_24 = tpu.memref_slice %arg13[%dma_start3A_23] : memref<100096xf32, #tpu.memory_space<vmem>> -> memref<128xf32, #tpu.memory_space<vmem>>
    %dma_start3A_25 = arith.constant 0 : i32
    %dma_start3A_26 = tpu.memref_slice %arg4[%dma_start3A_22, %add3A, %dma_start3A_25] : memref<26x32x128xf32, #tpu.memory_space<hbm>> -> memref<1x1x128xf32, #tpu.memory_space<hbm>>
    %dma_start3A_27 = tpu.memref_squeeze %dma_start3A_26 : memref<1x1x128xf32, #tpu.memory_space<hbm>> -> memref<128xf32, #tpu.memory_space<hbm>>
    %dma_start3A_28 = arith.constant 99968 : i32
    %dma_start3A_29 = tpu.memref_slice %arg13[%dma_start3A_28] : memref<100096xf32, #tpu.memory_space<vmem>> -> memref<128xf32, #tpu.memory_space<vmem>>
    %dma_start3A_30 = arith.constant 0 : i32
    %dma_start3A_31 = tpu.memref_slice %arg4[%dma_start3A_22, %add3A, %dma_start3A_30] : memref<26x32x128xf32, #tpu.memory_space<hbm>> -> memref<1x1x128xf32, #tpu.memory_space<hbm>>
    %dma_start3A_32 = tpu.memref_squeeze %dma_start3A_31 : memref<1x1x128xf32, #tpu.memory_space<hbm>> -> memref<128xf32, #tpu.memory_space<hbm>>
    tpu.enqueue_dma source(%dma_start3A_32 : memref<128xf32, #tpu.memory_space<hbm>>) target(%dma_start3A_29 : memref<128xf32, #tpu.memory_space<vmem>>) target_semaphore(%arg12 : memref<!tpu.dma_semaphore, #tpu.memory_space<semaphore_mem>>)
    %dma_start3A_33 = arith.constant 0 : i32
    %dma_start3A_34 = tpu.memref_slice %arg2[%dma_start3A_33] : memref<425984xi32, #tpu.memory_space<hbm>> -> memref<4096xi32, #tpu.memory_space<hbm>>
    %dma_start3A_35 = arith.constant 0 : i32
    %dma_start3A_36 = tpu.memref_slice %arg2[%dma_start3A_35] : memref<425984xi32, #tpu.memory_space<hbm>> -> memref<4096xi32, #tpu.memory_space<hbm>>
    tpu.enqueue_dma source(%dma_start3A_36 : memref<4096xi32, #tpu.memory_space<hbm>>) target(%arg9 : memref<4096xi32, #tpu.memory_space<vmem>>) target_semaphore(%arg7 : memref<!tpu.dma_semaphore, #tpu.memory_space<semaphore_mem>>)
    %broadcast_in_dim3A = arith.constant 0.000000e+00 : f32
    %broadcast_in_dim3A_37 = vector.broadcast %broadcast_in_dim3A : f32 to vector<16xf32>
    %scan3A = arith.constant 0 : i32
    %scan3A_38 = arith.constant 1024 : i32
    %scan3A_39 = arith.addi %scan3A, %scan3A_38 : i32
    %scan3A_40 = arith.constant 1 : i32
    scf.for %scan3A_47 = %scan3A to %scan3A_39 step %scan3A_40  : i32 {
      %mul3A_48 = arith.constant 1 : i32
      %mul3A_49 = arith.muli %scan3A_47, %mul3A_48 : i32
      %add3A_50 = arith.constant 0 : i32
      %add3A_51 = arith.addi %add3A_50, %mul3A_49 : i32
      %mul3A_52 = arith.constant 16 : i32
      %mul3A_53 = arith.muli %add3A_51, %mul3A_52 : i32
      %swap3A = arith.index_cast %mul3A_53 : i32 to index
      %swap3A_54 = tpu.vector_load %arg6[%swap3A] {strides = array<i32>} : memref<16384xf32, #tpu.memory_space<vmem>>, vector<16xf32>,
      tpu.vector_store %arg6[%swap3A], %broadcast_in_dim3A_37 {strides = array<i32>} : memref<16384xf32, #tpu.memory_space<vmem>>, vector<16xf32>,
    }
    %scan3A_41 = arith.constant 1024 : i32
    %scan3A_42 = arith.constant 0 : i32
    %scan3A_43 = arith.constant 26 : i32
    %scan3A_44 = arith.addi %scan3A_42, %scan3A_43 : i32
    %scan3A_45 = arith.constant 1 : i32
    scf.for %scan3A_47 = %scan3A_42 to %scan3A_44 step %scan3A_45  : i32 {
      %mul3A_48 = arith.constant 1 : i32
      %mul3A_49 = arith.muli %scan3A_47, %mul3A_48 : i32
      %add3A_50 = arith.constant 0 : i32
      %add3A_51 = arith.addi %add3A_50, %mul3A_49 : i32
      %dma_wait3A = arith.constant 0 : i32
      %dma_wait3A_52 = tpu.memref_slice %arg13[%dma_wait3A] : memref<100096xf32, #tpu.memory_space<vmem>> -> memref<49920xf32, #tpu.memory_space<vmem>>
      %dma_wait3A_53 = arith.constant 0 : i32
      %dma_wait3A_54 = tpu.memref_slice %arg3[%add3A_51, %add3A, %dma_wait3A_53] : memref<26x32x100000xf32, #tpu.memory_space<hbm>> -> memref<1x1x49920xf32, #tpu.memory_space<hbm>>
      %dma_wait3A_55 = tpu.memref_squeeze %dma_wait3A_54 : memref<1x1x49920xf32, #tpu.memory_space<hbm>> -> memref<49920xf32, #tpu.memory_space<hbm>>
      %dma_wait3A_56 = arith.constant 0 : i32
      %dma_wait3A_57 = tpu.memref_slice %arg13[%dma_wait3A_56] : memref<100096xf32, #tpu.memory_space<vmem>> -> memref<49920xf32, #tpu.memory_space<vmem>>
      %dma_wait3A_58 = arith.constant 0 : i32
      %dma_wait3A_59 = tpu.memref_slice %arg3[%add3A_51, %add3A, %dma_wait3A_58] : memref<26x32x100000xf32, #tpu.memory_space<hbm>> -> memref<1x1x49920xf32, #tpu.memory_space<hbm>>
      %dma_wait3A_60 = tpu.memref_squeeze %dma_wait3A_59 : memref<1x1x49920xf32, #tpu.memory_space<hbm>> -> memref<49920xf32, #tpu.memory_space<hbm>>
      tpu.wait_dma2 semaphore(%arg11 : memref<!tpu.dma_semaphore, #tpu.memory_space<semaphore_mem>>) src(%dma_wait3A_60 : memref<49920xf32, #tpu.memory_space<hbm>>) dst(%dma_wait3A_57 : memref<49920xf32, #tpu.memory_space<vmem>>)
      %dma_wait3A_61 = arith.constant 49920 : i32
      %dma_wait3A_62 = tpu.memref_slice %arg13[%dma_wait3A_61] : memref<100096xf32, #tpu.memory_space<vmem>> -> memref<50048xf32, #tpu.memory_space<vmem>>
      %dma_wait3A_63 = arith.constant 49920 : i32
      %dma_wait3A_64 = tpu.memref_slice %arg3[%add3A_51, %add3A, %dma_wait3A_63] : memref<26x32x100000xf32, #tpu.memory_space<hbm>> -> memref<1x1x50048xf32, #tpu.memory_space<hbm>>
      %dma_wait3A_65 = tpu.memref_squeeze %dma_wait3A_64 : memref<1x1x50048xf32, #tpu.memory_space<hbm>> -> memref<50048xf32, #tpu.memory_space<hbm>>
      %dma_wait3A_66 = arith.constant 49920 : i32
      %dma_wait3A_67 = tpu.memref_slice %arg13[%dma_wait3A_66] : memref<100096xf32, #tpu.memory_space<vmem>> -> memref<50048xf32, #tpu.memory_space<vmem>>
      %dma_wait3A_68 = arith.constant 49920 : i32
      %dma_wait3A_69 = tpu.memref_slice %arg3[%add3A_51, %add3A, %dma_wait3A_68] : memref<26x32x100000xf32, #tpu.memory_space<hbm>> -> memref<1x1x50048xf32, #tpu.memory_space<hbm>>
      %dma_wait3A_70 = tpu.memref_squeeze %dma_wait3A_69 : memref<1x1x50048xf32, #tpu.memory_space<hbm>> -> memref<50048xf32, #tpu.memory_space<hbm>>
      tpu.wait_dma2 semaphore(%arg12 : memref<!tpu.dma_semaphore, #tpu.memory_space<semaphore_mem>>) src(%dma_wait3A_70 : memref<50048xf32, #tpu.memory_space<hbm>>) dst(%dma_wait3A_67 : memref<50048xf32, #tpu.memory_space<vmem>>)
      %dma_wait3A_71 = arith.constant 99968 : i32
      %dma_wait3A_72 = tpu.memref_slice %arg13[%dma_wait3A_71] : memref<100096xf32, #tpu.memory_space<vmem>> -> memref<128xf32, #tpu.memory_space<vmem>>
      %dma_wait3A_73 = arith.constant 0 : i32
      %dma_wait3A_74 = tpu.memref_slice %arg4[%add3A_51, %add3A, %dma_wait3A_73] : memref<26x32x128xf32, #tpu.memory_space<hbm>> -> memref<1x1x128xf32, #tpu.memory_space<hbm>>
      %dma_wait3A_75 = tpu.memref_squeeze %dma_wait3A_74 : memref<1x1x128xf32, #tpu.memory_space<hbm>> -> memref<128xf32, #tpu.memory_space<hbm>>
      %dma_wait3A_76 = arith.constant 99968 : i32
      %dma_wait3A_77 = tpu.memref_slice %arg13[%dma_wait3A_76] : memref<100096xf32, #tpu.memory_space<vmem>> -> memref<128xf32, #tpu.memory_space<vmem>>
      %dma_wait3A_78 = arith.constant 0 : i32
      %dma_wait3A_79 = tpu.memref_slice %arg4[%add3A_51, %add3A, %dma_wait3A_78] : memref<26x32x128xf32, #tpu.memory_space<hbm>> -> memref<1x1x128xf32, #tpu.memory_space<hbm>>
      %dma_wait3A_80 = tpu.memref_squeeze %dma_wait3A_79 : memref<1x1x128xf32, #tpu.memory_space<hbm>> -> memref<128xf32, #tpu.memory_space<hbm>>
      tpu.wait_dma2 semaphore(%arg12 : memref<!tpu.dma_semaphore, #tpu.memory_space<semaphore_mem>>) src(%dma_wait3A_80 : memref<128xf32, #tpu.memory_space<hbm>>) dst(%dma_wait3A_77 : memref<128xf32, #tpu.memory_space<vmem>>)
      %mul3A_81 = arith.constant 16384 : i32
      %mul3A_82 = arith.muli %add3A_51, %mul3A_81 : i32
      %add3A_83 = arith.constant 0 : i32
      %add3A_84 = arith.addi %mul3A_82, %add3A_83 : i32
      %dma_wait3A_85 = tpu.memref_slice %arg2[%add3A_84] : memref<425984xi32, #tpu.memory_space<hbm>> -> memref<4096xi32, #tpu.memory_space<hbm>>
      %dma_wait3A_86 = tpu.memref_slice %arg2[%add3A_84] : memref<425984xi32, #tpu.memory_space<hbm>> -> memref<4096xi32, #tpu.memory_space<hbm>>
      tpu.wait_dma2 semaphore(%arg7 : memref<!tpu.dma_semaphore, #tpu.memory_space<semaphore_mem>>) src(%dma_wait3A_86 : memref<4096xi32, #tpu.memory_space<hbm>>) dst(%arg9 : memref<4096xi32, #tpu.memory_space<vmem>>)
      %mul3A_87 = arith.constant 16384 : i32
      %mul3A_88 = arith.muli %add3A_51, %mul3A_87 : i32
      %add3A_89 = arith.constant 4096 : i32
      %add3A_90 = arith.addi %mul3A_88, %add3A_89 : i32
      %dma_start3A_91 = tpu.memref_slice %arg2[%add3A_90] : memref<425984xi32, #tpu.memory_space<hbm>> -> memref<4096xi32, #tpu.memory_space<hbm>>
      %dma_start3A_92 = tpu.memref_slice %arg2[%add3A_90] : memref<425984xi32, #tpu.memory_space<hbm>> -> memref<4096xi32, #tpu.memory_space<hbm>>
      tpu.enqueue_dma source(%dma_start3A_92 : memref<4096xi32, #tpu.memory_space<hbm>>) target(%arg10 : memref<4096xi32, #tpu.memory_space<vmem>>) target_semaphore(%arg8 : memref<!tpu.dma_semaphore, #tpu.memory_space<semaphore_mem>>)
      %parallel_loop3A = arith.constant 0 : i32
      %parallel_loop3A_93 = arith.constant 256 : i32
      %parallel_loop3A_94 = arith.constant 1 : i32
      scf.for %parallel_loop3A_141 = %parallel_loop3A to %parallel_loop3A_93 step %parallel_loop3A_94  : i32 {
        %parallel_loop3A_142 = arith.constant 16 : i32
        %parallel_loop3A_143 = arith.muli %parallel_loop3A_141, %parallel_loop3A_142 : i32
        %parallel_loop3A_144 = arith.index_cast %parallel_loop3A_143 : i32 to index
        %parallel_loop3A_145 = tpu.vector_load %arg9[%parallel_loop3A_144] {strides = array<i32>} : memref<4096xi32, #tpu.memory_space<vmem>>, vector<16xi32>,
        %parallel_loop3A_146 = tpu.vector_load_idx %arg13[%parallel_loop3A_145] : memref<100096xf32, #tpu.memory_space<vmem>>[vector<16xi32>], vector<16xf32>,
        %parallel_loop3A_147 = arith.constant 16 : i32
        %parallel_loop3A_148 = arith.muli %parallel_loop3A_141, %parallel_loop3A_147 : i32
        %parallel_loop3A_149 = arith.constant 0 : i32
        %parallel_loop3A_150 = arith.addi %parallel_loop3A_149, %parallel_loop3A_148 : i32
        %parallel_loop3A_151 = arith.index_cast %parallel_loop3A_150 : i32 to index
        %parallel_loop3A_152 = tpu.vector_load %arg6[%parallel_loop3A_151] {strides = array<i32>} : memref<16384xf32, #tpu.memory_space<vmem>>, vector<16xf32>,
        tpu.vector_store %arg6[%parallel_loop3A_151], %parallel_loop3A_146 {add = true, strides = array<i32>} : memref<16384xf32, #tpu.memory_space<vmem>>, vector<16xf32>,
      } {sc.loop_unroll_factor = 8 : i64, sc.parallel_access}
      %mul3A_95 = arith.constant 16384 : i32
      %mul3A_96 = arith.muli %add3A_51, %mul3A_95 : i32
      %add3A_97 = arith.constant 4096 : i32
      %add3A_98 = arith.addi %mul3A_96, %add3A_97 : i32
      %dma_wait3A_99 = tpu.memref_slice %arg2[%add3A_98] : memref<425984xi32, #tpu.memory_space<hbm>> -> memref<4096xi32, #tpu.memory_space<hbm>>
      %dma_wait3A_100 = tpu.memref_slice %arg2[%add3A_98] : memref<425984xi32, #tpu.memory_space<hbm>> -> memref<4096xi32, #tpu.memory_space<hbm>>
      tpu.wait_dma2 semaphore(%arg8 : memref<!tpu.dma_semaphore, #tpu.memory_space<semaphore_mem>>) src(%dma_wait3A_100 : memref<4096xi32, #tpu.memory_space<hbm>>) dst(%arg10 : memref<4096xi32, #tpu.memory_space<vmem>>)
      %mul3A_101 = arith.constant 16384 : i32
      %mul3A_102 = arith.muli %add3A_51, %mul3A_101 : i32
      %add3A_103 = arith.constant 8192 : i32
      %add3A_104 = arith.addi %mul3A_102, %add3A_103 : i32
      %dma_start3A_105 = tpu.memref_slice %arg2[%add3A_104] : memref<425984xi32, #tpu.memory_space<hbm>> -> memref<4096xi32, #tpu.memory_space<hbm>>
      %dma_start3A_106 = tpu.memref_slice %arg2[%add3A_104] : memref<425984xi32, #tpu.memory_space<hbm>> -> memref<4096xi32, #tpu.memory_space<hbm>>
      tpu.enqueue_dma source(%dma_start3A_106 : memref<4096xi32, #tpu.memory_space<hbm>>) target(%arg9 : memref<4096xi32, #tpu.memory_space<vmem>>) target_semaphore(%arg7 : memref<!tpu.dma_semaphore, #tpu.memory_space<semaphore_mem>>)
      %parallel_loop3A_107 = arith.constant 0 : i32
      %parallel_loop3A_108 = arith.constant 256 : i32
      %parallel_loop3A_109 = arith.constant 1 : i32
      scf.for %parallel_loop3A_141 = %parallel_loop3A_107 to %parallel_loop3A_108 step %parallel_loop3A_109  : i32 {
        %parallel_loop3A_142 = arith.constant 16 : i32
        %parallel_loop3A_143 = arith.muli %parallel_loop3A_141, %parallel_loop3A_142 : i32
        %parallel_loop3A_144 = arith.index_cast %parallel_loop3A_143 : i32 to index
        %parallel_loop3A_145 = tpu.vector_load %arg10[%parallel_loop3A_144] {strides = array<i32>} : memref<4096xi32, #tpu.memory_space<vmem>>, vector<16xi32>,
        %parallel_loop3A_146 = tpu.vector_load_idx %arg13[%parallel_loop3A_145] : memref<100096xf32, #tpu.memory_space<vmem>>[vector<16xi32>], vector<16xf32>,
        %parallel_loop3A_147 = arith.constant 16 : i32
        %parallel_loop3A_148 = arith.muli %parallel_loop3A_141, %parallel_loop3A_147 : i32
        %parallel_loop3A_149 = arith.constant 4096 : i32
        %parallel_loop3A_150 = arith.addi %parallel_loop3A_149, %parallel_loop3A_148 : i32
        %parallel_loop3A_151 = arith.index_cast %parallel_loop3A_150 : i32 to index
        %parallel_loop3A_152 = tpu.vector_load %arg6[%parallel_loop3A_151] {strides = array<i32>} : memref<16384xf32, #tpu.memory_space<vmem>>, vector<16xf32>,
        tpu.vector_store %arg6[%parallel_loop3A_151], %parallel_loop3A_146 {add = true, strides = array<i32>} : memref<16384xf32, #tpu.memory_space<vmem>>, vector<16xf32>,
      } {sc.loop_unroll_factor = 8 : i64, sc.parallel_access}
      %mul3A_110 = arith.constant 16384 : i32
      %mul3A_111 = arith.muli %add3A_51, %mul3A_110 : i32
      %add3A_112 = arith.constant 8192 : i32
      %add3A_113 = arith.addi %mul3A_111, %add3A_112 : i32
      %dma_wait3A_114 = tpu.memref_slice %arg2[%add3A_113] : memref<425984xi32, #tpu.memory_space<hbm>> -> memref<4096xi32, #tpu.memory_space<hbm>>
      %dma_wait3A_115 = tpu.memref_slice %arg2[%add3A_113] : memref<425984xi32, #tpu.memory_space<hbm>> -> memref<4096xi32, #tpu.memory_space<hbm>>
      tpu.wait_dma2 semaphore(%arg7 : memref<!tpu.dma_semaphore, #tpu.memory_space<semaphore_mem>>) src(%dma_wait3A_115 : memref<4096xi32, #tpu.memory_space<hbm>>) dst(%arg9 : memref<4096xi32, #tpu.memory_space<vmem>>)
      %mul3A_116 = arith.constant 16384 : i32
      %mul3A_117 = arith.muli %add3A_51, %mul3A_116 : i32
      %add3A_118 = arith.constant 12288 : i32
      %add3A_119 = arith.addi %mul3A_117, %add3A_118 : i32
      %dma_start3A_120 = tpu.memref_slice %arg2[%add3A_119] : memref<425984xi32, #tpu.memory_space<hbm>> -> memref<4096xi32, #tpu.memory_space<hbm>>
      %dma_start3A_121 = tpu.memref_slice %arg2[%add3A_119] : memref<425984xi32, #tpu.memory_space<hbm>> -> memref<4096xi32, #tpu.memory_space<hbm>>
      tpu.enqueue_dma source(%dma_start3A_121 : memref<4096xi32, #tpu.memory_space<hbm>>) target(%arg10 : memref<4096xi32, #tpu.memory_space<vmem>>) target_semaphore(%arg8 : memref<!tpu.dma_semaphore, #tpu.memory_space<semaphore_mem>>)
      %parallel_loop3A_122 = arith.constant 0 : i32
      %parallel_loop3A_123 = arith.constant 256 : i32
      %parallel_loop3A_124 = arith.constant 1 : i32
      scf.for %parallel_loop3A_141 = %parallel_loop3A_122 to %parallel_loop3A_123 step %parallel_loop3A_124  : i32 {
        %parallel_loop3A_142 = arith.constant 16 : i32
        %parallel_loop3A_143 = arith.muli %parallel_loop3A_141, %parallel_loop3A_142 : i32
        %parallel_loop3A_144 = arith.index_cast %parallel_loop3A_143 : i32 to index
        %parallel_loop3A_145 = tpu.vector_load %arg9[%parallel_loop3A_144] {strides = array<i32>} : memref<4096xi32, #tpu.memory_space<vmem>>, vector<16xi32>,
        %parallel_loop3A_146 = tpu.vector_load_idx %arg13[%parallel_loop3A_145] : memref<100096xf32, #tpu.memory_space<vmem>>[vector<16xi32>], vector<16xf32>,
        %parallel_loop3A_147 = arith.constant 16 : i32
        %parallel_loop3A_148 = arith.muli %parallel_loop3A_141, %parallel_loop3A_147 : i32
        %parallel_loop3A_149 = arith.constant 8192 : i32
        %parallel_loop3A_150 = arith.addi %parallel_loop3A_149, %parallel_loop3A_148 : i32
        %parallel_loop3A_151 = arith.index_cast %parallel_loop3A_150 : i32 to index
        %parallel_loop3A_152 = tpu.vector_load %arg6[%parallel_loop3A_151] {strides = array<i32>} : memref<16384xf32, #tpu.memory_space<vmem>>, vector<16xf32>,
        tpu.vector_store %arg6[%parallel_loop3A_151], %parallel_loop3A_146 {add = true, strides = array<i32>} : memref<16384xf32, #tpu.memory_space<vmem>>, vector<16xf32>,
      } {sc.loop_unroll_factor = 8 : i64, sc.parallel_access}
      %mul3A_125 = arith.constant 16384 : i32
      %mul3A_126 = arith.muli %add3A_51, %mul3A_125 : i32
      %add3A_127 = arith.constant 12288 : i32
      %add3A_128 = arith.addi %mul3A_126, %add3A_127 : i32
      %dma_wait3A_129 = tpu.memref_slice %arg2[%add3A_128] : memref<425984xi32, #tpu.memory_space<hbm>> -> memref<4096xi32, #tpu.memory_space<hbm>>
      %dma_wait3A_130 = tpu.memref_slice %arg2[%add3A_128] : memref<425984xi32, #tpu.memory_space<hbm>> -> memref<4096xi32, #tpu.memory_space<hbm>>
      tpu.wait_dma2 semaphore(%arg8 : memref<!tpu.dma_semaphore, #tpu.memory_space<semaphore_mem>>) src(%dma_wait3A_130 : memref<4096xi32, #tpu.memory_space<hbm>>) dst(%arg10 : memref<4096xi32, #tpu.memory_space<vmem>>)
      %lt3A = arith.constant 25 : i32
      %lt3A_131 = arith.cmpi slt, %add3A_51, %lt3A : i32
      %convert_element_type3A = arith.extui %lt3A_131 : i1 to i32
      %cond3A = arith.constant 0 : i32
      %cond3A_132 = arith.cmpi ne, %convert_element_type3A, %cond3A : i32
      scf.if %cond3A_132 {
        %add3A_141 = arith.constant 1 : i32
        %add3A_142 = arith.addi %add3A_51, %add3A_141 : i32
        %mul3A_143 = arith.constant 16384 : i32
        %mul3A_144 = arith.muli %add3A_142, %mul3A_143 : i32
        %add3A_145 = arith.constant 0 : i32
        %add3A_146 = arith.addi %mul3A_144, %add3A_145 : i32
        %dma_start3A_147 = tpu.memref_slice %arg2[%add3A_146] : memref<425984xi32, #tpu.memory_space<hbm>> -> memref<4096xi32, #tpu.memory_space<hbm>>
        %dma_start3A_148 = tpu.memref_slice %arg2[%add3A_146] : memref<425984xi32, #tpu.memory_space<hbm>> -> memref<4096xi32, #tpu.memory_space<hbm>>
        tpu.enqueue_dma source(%dma_start3A_148 : memref<4096xi32, #tpu.memory_space<hbm>>) target(%arg9 : memref<4096xi32, #tpu.memory_space<vmem>>) target_semaphore(%arg7 : memref<!tpu.dma_semaphore, #tpu.memory_space<semaphore_mem>>)
      } else {
      }
      %parallel_loop3A_133 = arith.constant 0 : i32
      %parallel_loop3A_134 = arith.constant 256 : i32
      %parallel_loop3A_135 = arith.constant 1 : i32
      scf.for %parallel_loop3A_141 = %parallel_loop3A_133 to %parallel_loop3A_134 step %parallel_loop3A_135  : i32 {
        %parallel_loop3A_142 = arith.constant 16 : i32
        %parallel_loop3A_143 = arith.muli %parallel_loop3A_141, %parallel_loop3A_142 : i32
        %parallel_loop3A_144 = arith.index_cast %parallel_loop3A_143 : i32 to index
        %parallel_loop3A_145 = tpu.vector_load %arg10[%parallel_loop3A_144] {strides = array<i32>} : memref<4096xi32, #tpu.memory_space<vmem>>, vector<16xi32>,
        %parallel_loop3A_146 = tpu.vector_load_idx %arg13[%parallel_loop3A_145] : memref<100096xf32, #tpu.memory_space<vmem>>[vector<16xi32>], vector<16xf32>,
        %parallel_loop3A_147 = arith.constant 16 : i32
        %parallel_loop3A_148 = arith.muli %parallel_loop3A_141, %parallel_loop3A_147 : i32
        %parallel_loop3A_149 = arith.constant 12288 : i32
        %parallel_loop3A_150 = arith.addi %parallel_loop3A_149, %parallel_loop3A_148 : i32
        %parallel_loop3A_151 = arith.index_cast %parallel_loop3A_150 : i32 to index
        %parallel_loop3A_152 = tpu.vector_load %arg6[%parallel_loop3A_151] {strides = array<i32>} : memref<16384xf32, #tpu.memory_space<vmem>>, vector<16xf32>,
        tpu.vector_store %arg6[%parallel_loop3A_151], %parallel_loop3A_146 {add = true, strides = array<i32>} : memref<16384xf32, #tpu.memory_space<vmem>>, vector<16xf32>,
      } {sc.loop_unroll_factor = 8 : i64, sc.parallel_access}
      %lt3A_136 = arith.constant 25 : i32
      %lt3A_137 = arith.cmpi slt, %add3A_51, %lt3A_136 : i32
      %convert_element_type3A_138 = arith.extui %lt3A_137 : i1 to i32
      %cond3A_139 = arith.constant 0 : i32
      %cond3A_140 = arith.cmpi ne, %convert_element_type3A_138, %cond3A_139 : i32
      scf.if %cond3A_140 {
        %add3A_141 = arith.constant 1 : i32
        %add3A_142 = arith.addi %add3A_51, %add3A_141 : i32
        %dma_start3A_143 = arith.constant 0 : i32
        %dma_start3A_144 = tpu.memref_slice %arg13[%dma_start3A_143] : memref<100096xf32, #tpu.memory_space<vmem>> -> memref<49920xf32, #tpu.memory_space<vmem>>
        %dma_start3A_145 = arith.constant 0 : i32
        %dma_start3A_146 = tpu.memref_slice %arg3[%add3A_142, %add3A, %dma_start3A_145] : memref<26x32x100000xf32, #tpu.memory_space<hbm>> -> memref<1x1x49920xf32, #tpu.memory_space<hbm>>
        %dma_start3A_147 = tpu.memref_squeeze %dma_start3A_146 : memref<1x1x49920xf32, #tpu.memory_space<hbm>> -> memref<49920xf32, #tpu.memory_space<hbm>>
        %dma_start3A_148 = arith.constant 0 : i32
        %dma_start3A_149 = tpu.memref_slice %arg13[%dma_start3A_148] : memref<100096xf32, #tpu.memory_space<vmem>> -> memref<49920xf32, #tpu.memory_space<vmem>>
        %dma_start3A_150 = arith.constant 0 : i32
        %dma_start3A_151 = tpu.memref_slice %arg3[%add3A_142, %add3A, %dma_start3A_150] : memref<26x32x100000xf32, #tpu.memory_space<hbm>> -> memref<1x1x49920xf32, #tpu.memory_space<hbm>>
        %dma_start3A_152 = tpu.memref_squeeze %dma_start3A_151 : memref<1x1x49920xf32, #tpu.memory_space<hbm>> -> memref<49920xf32, #tpu.memory_space<hbm>>
        tpu.enqueue_dma source(%dma_start3A_152 : memref<49920xf32, #tpu.memory_space<hbm>>) target(%dma_start3A_149 : memref<49920xf32, #tpu.memory_space<vmem>>) target_semaphore(%arg11 : memref<!tpu.dma_semaphore, #tpu.memory_space<semaphore_mem>>)
        %add3A_153 = arith.constant 1 : i32
        %add3A_154 = arith.addi %add3A_51, %add3A_153 : i32
        %dma_start3A_155 = arith.constant 49920 : i32
        %dma_start3A_156 = tpu.memref_slice %arg13[%dma_start3A_155] : memref<100096xf32, #tpu.memory_space<vmem>> -> memref<50048xf32, #tpu.memory_space<vmem>>
        %dma_start3A_157 = arith.constant 49920 : i32
        %dma_start3A_158 = tpu.memref_slice %arg3[%add3A_154, %add3A, %dma_start3A_157] : memref<26x32x100000xf32, #tpu.memory_space<hbm>> -> memref<1x1x50048xf32, #tpu.memory_space<hbm>>
        %dma_start3A_159 = tpu.memref_squeeze %dma_start3A_158 : memref<1x1x50048xf32, #tpu.memory_space<hbm>> -> memref<50048xf32, #tpu.memory_space<hbm>>
        %dma_start3A_160 = arith.constant 49920 : i32
        %dma_start3A_161 = tpu.memref_slice %arg13[%dma_start3A_160] : memref<100096xf32, #tpu.memory_space<vmem>> -> memref<50048xf32, #tpu.memory_space<vmem>>
        %dma_start3A_162 = arith.constant 49920 : i32
        %dma_start3A_163 = tpu.memref_slice %arg3[%add3A_154, %add3A, %dma_start3A_162] : memref<26x32x100000xf32, #tpu.memory_space<hbm>> -> memref<1x1x50048xf32, #tpu.memory_space<hbm>>
        %dma_start3A_164 = tpu.memref_squeeze %dma_start3A_163 : memref<1x1x50048xf32, #tpu.memory_space<hbm>> -> memref<50048xf32, #tpu.memory_space<hbm>>
        tpu.enqueue_dma source(%dma_start3A_164 : memref<50048xf32, #tpu.memory_space<hbm>>) target(%dma_start3A_161 : memref<50048xf32, #tpu.memory_space<vmem>>) target_semaphore(%arg12 : memref<!tpu.dma_semaphore, #tpu.memory_space<semaphore_mem>>)
        %add3A_165 = arith.constant 1 : i32
        %add3A_166 = arith.addi %add3A_51, %add3A_165 : i32
        %dma_start3A_167 = arith.constant 99968 : i32
        %dma_start3A_168 = tpu.memref_slice %arg13[%dma_start3A_167] : memref<100096xf32, #tpu.memory_space<vmem>> -> memref<128xf32, #tpu.memory_space<vmem>>
        %dma_start3A_169 = arith.constant 0 : i32
        %dma_start3A_170 = tpu.memref_slice %arg4[%add3A_166, %add3A, %dma_start3A_169] : memref<26x32x128xf32, #tpu.memory_space<hbm>> -> memref<1x1x128xf32, #tpu.memory_space<hbm>>
        %dma_start3A_171 = tpu.memref_squeeze %dma_start3A_170 : memref<1x1x128xf32, #tpu.memory_space<hbm>> -> memref<128xf32, #tpu.memory_space<hbm>>
        %dma_start3A_172 = arith.constant 99968 : i32
        %dma_start3A_173 = tpu.memref_slice %arg13[%dma_start3A_172] : memref<100096xf32, #tpu.memory_space<vmem>> -> memref<128xf32, #tpu.memory_space<vmem>>
        %dma_start3A_174 = arith.constant 0 : i32
        %dma_start3A_175 = tpu.memref_slice %arg4[%add3A_166, %add3A, %dma_start3A_174] : memref<26x32x128xf32, #tpu.memory_space<hbm>> -> memref<1x1x128xf32, #tpu.memory_space<hbm>>
        %dma_start3A_176 = tpu.memref_squeeze %dma_start3A_175 : memref<1x1x128xf32, #tpu.memory_space<hbm>> -> memref<128xf32, #tpu.memory_space<hbm>>
        tpu.enqueue_dma source(%dma_start3A_176 : memref<128xf32, #tpu.memory_space<hbm>>) target(%dma_start3A_173 : memref<128xf32, #tpu.memory_space<vmem>>) target_semaphore(%arg12 : memref<!tpu.dma_semaphore, #tpu.memory_space<semaphore_mem>>)
      } else {
      }
    }
    %scan3A_46 = arith.constant 26 : i32
    "tpu.region"() ({
      %run_scoped3A = tpu.sem_alloc : memref<!tpu.dma_semaphore, #tpu.memory_space<semaphore_mem>>
      %dma_start3A_47 = arith.constant 0 : i32
      %dma_start3A_48 = tpu.memref_slice %arg5[%add3A, %dma_start3A_47] : memref<32x16384xf32, #tpu.memory_space<hbm>> -> memref<1x16384xf32, #tpu.memory_space<hbm>>
      %dma_start3A_49 = tpu.memref_squeeze %dma_start3A_48 : memref<1x16384xf32, #tpu.memory_space<hbm>> -> memref<16384xf32, #tpu.memory_space<hbm>>
      %dma_start3A_50 = arith.constant 0 : i32
      %dma_start3A_51 = tpu.memref_slice %arg5[%add3A, %dma_start3A_50] : memref<32x16384xf32, #tpu.memory_space<hbm>> -> memref<1x16384xf32, #tpu.memory_space<hbm>>
      %dma_start3A_52 = tpu.memref_squeeze %dma_start3A_51 : memref<1x16384xf32, #tpu.memory_space<hbm>> -> memref<16384xf32, #tpu.memory_space<hbm>>
      tpu.enqueue_dma source(%arg6 : memref<16384xf32, #tpu.memory_space<vmem>>) target(%dma_start3A_52 : memref<16384xf32, #tpu.memory_space<hbm>>) target_semaphore(%run_scoped3A : memref<!tpu.dma_semaphore, #tpu.memory_space<semaphore_mem>>)
      %dma_wait3A = arith.constant 0 : i32
      %dma_wait3A_53 = tpu.memref_slice %arg5[%add3A, %dma_wait3A] : memref<32x16384xf32, #tpu.memory_space<hbm>> -> memref<1x16384xf32, #tpu.memory_space<hbm>>
      %dma_wait3A_54 = tpu.memref_squeeze %dma_wait3A_53 : memref<1x16384xf32, #tpu.memory_space<hbm>> -> memref<16384xf32, #tpu.memory_space<hbm>>
      %dma_wait3A_55 = arith.constant 0 : i32
      %dma_wait3A_56 = tpu.memref_slice %arg5[%add3A, %dma_wait3A_55] : memref<32x16384xf32, #tpu.memory_space<hbm>> -> memref<1x16384xf32, #tpu.memory_space<hbm>>
      %dma_wait3A_57 = tpu.memref_squeeze %dma_wait3A_56 : memref<1x16384xf32, #tpu.memory_space<hbm>> -> memref<16384xf32, #tpu.memory_space<hbm>>
      tpu.wait_dma2 semaphore(%run_scoped3A : memref<!tpu.dma_semaphore, #tpu.memory_space<semaphore_mem>>) src(%arg6 : memref<16384xf32, #tpu.memory_space<vmem>>) dst(%dma_wait3A_57 : memref<16384xf32, #tpu.memory_space<hbm>>)
      tpu.yield
    }) : () -> ()
    return
  }
}

</mosaic_0001>

<sc_bundles>
// kernel: kernel.3.cloned.1.call-start
scs
__scs_entry_jumppad:
0x0: {  	(pc) =	sbr.rel $0x88, $3  }
0x1: {  	(tag) =	ssettag $0x0;
	lr =	simm.s32 $0x1  }
0x2: {  	[smem:$0x3F9F] =	sst lr;
	_ =	strace $0xD0000000  }
0x3: {  	_ = 	snop  }
0x4: {  	_ = 	snop  }
0x5: {  	_ = 	snop  }
0x6: {  	_ = 	snop  }
0x7: {  	_ = 	snop  }
__scs_overlays_trampoline_lowered:
0x8: {  	[smem:$0x3FAE] =	sst s0  }
0x9: {  	[smem:$0x3FAF] =	sst s1  }
0xa: {  	[smem:$0x3FB0] =	sst s2  }
0xb: {  	[smem:$0x3FB1] =	sst s3  }
0xc: {  	[smem:$0x3FB2] =	sst s4  }
0xd: {  	[smem:$0x3FB3] =	sst s5  }
0xe: {  	[smem:$0x3FB4] =	sst s6  }
0xf: {  	[smem:$0x3FB5] =	sst s7  }
0x10: {  	[smem:$0x3FB6] =	sst s8  }
0x11: {  	[smem:$0x3FB7] =	sst s9;
	s0 =	simm.s32 @!p0 $0x0  }
0x12: {  	s1 =	sld [smem:$0x3F9D];
	s0 =	simm.s32 @p0 $0x1  }
0x13: {  	[smem:$0x3FB8] =	sst s0;
	s0 =	simm.s32 @!p1 $0x0  }
0x14: {  	s2 =	sld [smem:$0x3F9C];
	s0 =	simm.s32 @p1 $0x1  }
0x15: {  	[smem:$0x3FB9] =	sst s0;
	s0 =	simm.s32 @!p2 $0x0  }
0x16: {  	s3 =	sld [smem:$0x3FDB];
	s0 =	simm.s32 @p2 $0x1  }
0x17: {  	s4 =	simm.s32 $0x1BF5;
	[smem:$0x3FBB] =	sst s0  }
0x18: {  	s0 =	sld [smem:$0x3F9E];
	_ =	swait.ge [sflag:s4], $0x0  }
0x19: {  	s7 =	sld [smem:$0x3F9F]  }
0x1a: {  	s8 =	sadd.s32 $0xFFFFE003, lr  }
0x1b: {  	s9 =	sadd.s32 $0xFFFFFEF7, lr;
	s5 =	simm.s32 $0xFFFFFFFF;
	p2 =	slt.u32 s8, $0xFFFFF086  }
0x1c: {  	p1 =	slt.u32 s9, $0xF7A;
	s5 =	simm.s32 @!p2 $0x0  }
0x1d: {  	s5 =	simm.s32 @p1 $0x1;
	p0 =	seq.s32 s7, s2  }
0x1e: {  	s7 =	smul.u32 @!p0 $0xF7A, s2;
	p2 =	seq.s32 @!p0 s5, $0x0  }
0x1f: {  	s9 =	smul.u32 $0xF7A, s1;
	s8 =	simm.s32 @!p0 $0x1BF5;
	p2 =	por !p2, p0  }
0x20: {  	[sflag:s8] =	ssyncset.s32 @!p0 $0xFFFFF086;
	s6 =	sadd.s32 @!p0 s3, s7;
	s7 =	simm.s32 @!p0 $0x108  }
0x21: {  	s3 =	sadd.s32 s3, s9;
	s6 =	sadd.s32 @!p0 $0x88, s6;
	s7 =	simm.s32 @p2 $0x1082  }
0x22: {  	[simem:s7], [sflag:s8] =	dma.local @!p0 [hbm:s6], $0xF7A  }
0x23: {  	s9 =	sor.u32 $0xD0000000, s2;
	s6 =	simm.s32 $0x108;
	_ =	swait.ge @!p0 [sflag:s8], $0x0  }
0x24: {  	s3 =	sadd.s32 $0x88, s3;
	s6 =	simm.s32 @!p1 $0x1082;
	[sflag:s4] =	ssyncset.s32 $0xFFFFF086  }
0x25: {  	[simem:s6], [sflag:s4] =	dma.local [hbm:s3], $0xF7A  }
0x26: {  	[smem:$0x3F9F] =	sst s1;
	(tag) =	ssettag s2;
	_ =	strace s9  }
0x27: {  	s1 =	sld [smem:$0x3FAF]  }
0x28: {  	s2 =	sld [smem:$0x3FB0]  }
0x29: {  	s4 =	sld [smem:$0x3FB2]  }
0x2a: {  	p0 =	seq.s32 s5, $0x0;
	s5 =	sld [smem:$0x3FB3]  }
0x2b: {  	s6 =	sld [smem:$0x3FB4]  }
0x2c: {  	s7 =	sld [smem:$0x3FB5]  }
0x2d: {  	s3 =	simm.s32 $0x108;
	s8 =	sld [smem:$0x3FB6]  }
0x2e: {  	s3 =	simm.s32 @!p0 $0x1082;
	s9 =	sld [smem:$0x3FB7]  }
0x2f: {  	lr =	sadd.s32 s0, s3;
	s0 =	sld [smem:$0x3FAE]  }
0x30: {  	s3 =	sld [smem:$0x3FB1]  }
0x31: {  	[smem:$0x3FBA] =	sst s10  }
0x32: {  	s10 =	sld [smem:$0x3FB8];
	_ =	sdelay $0x3  }
0x33: {  	p0 =	seq.s32 s10, $0x1;
	s10 =	sld [smem:$0x3FBA];
	_ =	sdelay $0x3  }
0x34: {  	[smem:$0x3FBA] =	sst s10  }
0x35: {  	s10 =	sld [smem:$0x3FB9];
	_ =	sdelay $0x3  }
0x36: {  	p1 =	seq.s32 s10, $0x1;
	s10 =	sld [smem:$0x3FBA];
	_ =	sdelay $0x3  }
0x37: {  	[smem:$0x3FBA] =	sst s10  }
0x38: {  	s10 =	sld [smem:$0x3FBB]  }
0x39: {  	_ = 	snop;
	(pc) =	sbr.ind lr, $3  }
0x3a: {  	_ = 	snop  }
0x3b: {  	_ = 	snop  }
0x3c: {  	p2 =	seq.s32 s10, $0x1;
	s10 =	sld [smem:$0x3FBA]  }
0x3d: {  	_ =	shalt  }
0x3e: {  	_ =	shalt  }
0x3f: {  	_ =	shalt  }
0x40: {  	_ =	shalt  }
0x41: {  	_ =	shalt  }
0x42: {  	_ =	shalt  }
0x43: {  	_ =	shalt  }
0x44: {  	_ =	shalt  }
0x45: {  	_ =	shalt  }
0x46: {  	_ =	shalt  }
0x47: {  	_ =	shalt  }
0x48: {  	_ =	shalt  }
0x49: {  	_ =	shalt  }
0x4a: {  	_ =	shalt  }
0x4b: {  	_ =	shalt  }
0x4c: {  	_ =	shalt  }
0x4d: {  	_ =	shalt  }
0x4e: {  	_ =	shalt  }
0x4f: {  	_ =	shalt  }
0x50: {  	_ =	shalt  }
0x51: {  	_ =	shalt  }
0x52: {  	_ =	shalt  }
0x53: {  	_ =	shalt  }
0x54: {  	_ =	shalt  }
0x55: {  	_ =	shalt  }
0x56: {  	_ =	shalt  }
0x57: {  	_ =	shalt  }
0x58: {  	_ =	shalt  }
0x59: {  	_ =	shalt  }
0x5a: {  	_ =	shalt  }
0x5b: {  	_ =	shalt  }
0x5c: {  	_ =	shalt  }
0x5d: {  	_ =	shalt  }
0x5e: {  	_ =	shalt  }
0x5f: {  	_ =	shalt  }
0x60: {  	_ =	shalt  }
0x61: {  	_ =	shalt  }
0x62: {  	_ =	shalt  }
0x63: {  	_ =	shalt  }
0x64: {  	_ =	shalt  }
0x65: {  	_ =	shalt  }
0x66: {  	_ =	shalt  }
0x67: {  	_ =	shalt  }
0x68: {  	_ =	shalt  }
0x69: {  	_ =	shalt  }
0x6a: {  	_ =	shalt  }
0x6b: {  	_ =	shalt  }
0x6c: {  	_ =	shalt  }
0x6d: {  	_ =	shalt  }
0x6e: {  	_ =	shalt  }
0x6f: {  	_ =	shalt  }
0x70: {  	_ =	shalt  }
0x71: {  	_ =	shalt  }
0x72: {  	_ =	shalt  }
0x73: {  	_ =	shalt  }
0x74: {  	_ =	shalt  }
0x75: {  	_ =	shalt  }
0x76: {  	_ =	shalt  }
0x77: {  	_ =	shalt  }
0x78: {  	_ =	shalt  }
0x79: {  	_ =	shalt  }
0x7a: {  	_ =	shalt  }
0x7b: {  	_ =	shalt  }
0x7c: {  	_ =	shalt  }
0x7d: {  	_ =	shalt  }
0x7e: {  	_ =	shalt  }
0x7f: {  	_ =	shalt  }
0x80: {  	_ =	shalt  }
0x81: {  	_ =	shalt  }
0x82: {  	_ =	shalt  }
0x83: {  	_ =	shalt  }
0x84: {  	_ =	shalt  }
0x85: {  	_ =	shalt  }
0x86: {  	_ =	shalt  }
0x87: {  	_ =	shalt  }
.Lfunc_end0:
.L_simem_size_0:
called_computation_lowered:
.L_overlay_start_0:
0x88: {  	s2 =	sld [smem:$0x3FD9]  }
0x89: {  	s3 =	sld [smem:$0x3FFE];
	_ =	sdelay $0x1  }
0x8a: {  	s1 =	srdreg.scid  }
0x8b: {  	s0 =	sand.u32 $0x1, s1  }
0x8c: {  	s17 =	sshll.u32 s0, $0xA;
	s2 =	sadd.s32 s3, s2  }
0x8d: {  	s2 =	sadd.s32 s2, s17  }
0x8e: {  	[smem:$0x3FC6] =	sst s2  }
0x8f: {  	_ = 	snop  }
0x90: {  	s2 =	sld [smem:$0x3FC8]  }
0x91: {  	s18 =	sld [smem:$0x3FD0];
	(tm) =	ssettm $0x1  }
0x92: {  	s4 =	sld [smem:$0x3FFB];
	_ =	sdelay $0x3  }
0x93: {  	_ =	strace s4  }
0x94: {  	s4 =	sld [smem:$0x3FFC];
	_ =	sdelay $0x3  }
0x95: {  	_ =	strace s4  }
0x96: {  	s4 =	sld [smem:$0x3FFD];
	_ =	sdelay $0x3  }
0x97: {  	_ =	strace s4  }
0x98: {  	_ =	strace $0x8FFFFFFF  }
0x99: {  	s19 =	sld [smem:$0x3FDB];
	_ =	sdelay $0x1  }
0x9a: {  	s5 =	simm.s32 $_scs_section_size  }
0x9b: {  	s6 =	simm.s32 $_size__tile_overlayer_lowered;
	s7 =	simm.s32 $_tile_overlayer_lowered  }
0x9c: {  	s22 =	simm.s32 $0x1BFF;
	s21 =	sshll.u32 s7, $0x1;
	s4 =	sadd.s32 s5, s19  }
0x9d: {  	s8 =	simm.s32 $0x0;
	s20 =	sshll.u32 s6, $0x1;
	s6 =	sadd.s32 s21, s4  }
0x9e: {  	[timem:s8], [sflag:s22] =	dma.local [hbm:s6], s20  }
0x9f: {  	_ =	swait.ge [sflag:s22], s20  }
0xa0: {  	s5 =	ssub.s32 $0x0, s20;
	[sflag:s22] =	ssyncset.done $0x0  }
0xa1: {  	[sflag:s22] =	ssyncadd.s32 s5;
	_ =	sdelay $0x1  }
0xa2: {  	s23 =	simm.s32 $0x1B8B  }
0xa3: {  	_ =	swait.ge [sflag:s23], $0x1  }
0xa4: {  	[sflag:s23] =	ssyncset.done $0x0  }
0xa5: {  	s25 =	simm.s32 $0x1B8E;
	s24 =	sld [smem:$0x3FFE];
	[sflag:s23] =	ssyncadd.s32 $0xFFFFFFFF  }
0xa6: {  	s26 =	simm.s32 $execute0_lowered;
	[smem:$0x3FD2] =	sst s25  }
0xa7: {  	s6 =	sshll.u32 s26, $0x1;
	_ =	strace $0x80000046;
	[dreg:$0x1] =	wrdreg $0xFFFFFFFF  }
0xa8: {  	s28 =	simm.s32 $_size_execute0_lowered;
	s4 =	sadd.s32 s4, s6;
	[dreg:$0x0] =	wrdreg $0x0  }
0xa9: {  	s6 =	sshll.u32 s28, $0x1;
	[dreg:$0x2] =	wrdreg s4  }
0xaa: {  	[dreg:$0x3] =	wrdreg s6  }
0xab: {  	[dreg:$0x4] =	wrdreg $0xC0  }
0xac: {  	_ =	task [dreg:s8], $0x5FFFF  }
0xad: {  	[dreg:$0x1] =	wrdreg $0xFFFFFFFF  }
0xae: {  	[dreg:$0x0] =	wrdreg $0x60  }
0xaf: {  	[dreg:$0x2] =	wrdreg s24  }
0xb0: {  	[dreg:$0x3] =	wrdreg s2  }
0xb1: {  	[dreg:$0x4] =	wrdreg s18  }
0xb2: {  	[dreg:$0x5] =	wrdreg $0x9  }
0xb3: {  	_ =	task.clear_ibuf [dreg:s8], $0x6FFFF;
	_ =	strace $0x90000046  }
0xb4: {  	s29 =	simm.s32 $0x9;
	_ =	strace $0x80000048  }
0xb5: {  	_ =	swait.ge [sflag:s29], $0x1  }
0xb6: {  	[sflag:s29] =	ssyncadd.s32 $0xFFFFFFFF  }
0xb7: {  	_ =	strace $0x90000048  }
0xb8: {  	_ =	sfence  }
0xb9: {  	s30 =	sld [smem:$0x0];
	_ =	sdelay $0x2  }
0xba: {  	s31 =	sshll.u32 s1, $0xD;
	s1 =	sshrl.u32 s1, $0x2  }
0xbb: {  	s3 =	sand.u32 $0x4000, s31;
	s1 =	sadd.s32 s1, s30  }
0xbc: {  	s0 =	sor.u32 s3, s0;
	s1 =	sshll.u32 s1, $0x11  }
0xbd: {  	s0 =	sor.u32 s1, s0  }
0xbe: {  	s0 =	sadd.s32 $0x8F2B, s0  }
0xbf: {  	[sflag:s0] =	ssyncadd.remote.s32 $0x1  }
0xc0: {  	_ =	sfence.sel $0xFFFF  }
0xc1: {  	[dreg:$0x0] =	wrdreg $0xFFFFFFFF;
	(pc) =	sbr.abs _section_cstart, $3  }
0xc2: {  	[dreg:$0x1] =	wrdreg $0xFFFFFFFF  }
0xc3: {  	_ =	task.clear_ibuf [dreg:s8], $0x2FFFF;
	_ =	strace $0x9FFFFFFF  }
0xc4: {  	(tm) =	ssettm $0x7FFFFFFF  }
0xc5: {  	_ =	shalt  }
tec
execute0_lowered:
.L_overlay_start_1:
0x0: {  	(tag) =	ssettag $0x1  }
0x1: {  	s0 =	rddreg [dreg:$0x0]  }
0x2: {  	s1 =	rddreg [dreg:$0x1]  }
0x3: {  	s2 =	rddreg [dreg:$0x2];
	s3 =	simm.s32 $0x0;
	s4 =	srdreg.scid  }
0x4: {  	s6 =	stileid.u32;
	s19 =	simm.s32 $0x80;
	s20 =	simm.s32 $0x400  }
0x5: {  	s21 =	simm.s32 $0x6000;
	s28 =	simm.s32 $0x1;
	s29 =	simm.s32 $0x5000  }
0x6: {  	s30 =	simm.s32 $0x2;
	s31 =	simm.s32 $0x5;
	[smem:$0x7FF] =	sst s3  }
0x7: {  	s5 =	sand.u32 $0x1, s4;
	s9 =	sshrl.u32 s6, $0x2;
	s6 =	sshll.u32 s6, $0x8  }
0x8: {  	s8 =	sadd.s32 $0x400, s0;
	s13 =	sadd.s32 $0x600, s0;
	s14 =	sadd.s32 $0x800, s0  }
0x9: {  	s15 =	sadd.s32 $0xA00, s0;
	s16 =	sadd.s32 $0xC00, s0;
	_ =	strace $0x80000047  }
0xa: {  	s4 =	smul.u32 $0xC3800, s9;
	s7 =	sshll.u32 s5, $0x7;
	s6 =	sand.u32 $0x300, s6  }
0xb: {  	[dreg:$0x4] =	wrdreg s8;
	s5 =	ssub.s32 $0x2, s5;
	s11 =	sshll.u32 s9, $0xA  }
0xc: {  	s9 =	sshll.u32 s9, $0x11;
	s6 =	sor.u32 s7, s6;
	s22 =	sshrl.u32 s5, $0x1  }
0xd: {  	s7 =	sadd.s32 $0xD400, s0;
	s10 =	sor.u32 s4, s6;
	s5 =	ssub.s32 s5, s22  }
0xe: {  	s8 =	sor.u32 s11, s6;
	s9 =	sor.u32 s9, s6;
	s22 =	simm.s32 $0x12300  }
0xf: {  	s23 =	sadd.s32 $0x61800, s10;
	s10 =	sshrl.u32 s10, $0x3;
	s25 =	sshrl.u32 s8, $0x3  }
0x10: {  	s26 =	sshrl.u32 s9, $0x3;
	s18 =	smax.u32 s5, $0x1;
	s12 =	sshrl.u32 s23, $0x3  }
.Ltmp0:
0x11: {  	s10 =	sadd.s32 s1, s10;
	s0 =	sadd.s32 s2, s26;
	(pc) =	sbr.rel .LBB2_1-.Ltmp0, $4  }
0x12: {  	s23 =	simm.s32 $0x1E680;
	s26 =	simm.s32 $0x4;
	[dreg:$0x5] =	wrdreg s10  }
0x13: {  	s24 =	sadd.s32 s1, s12;
	s10 =	sadd.s32 s7, s25;
	[dreg:$0x8] =	wrdreg s0  }
0x14: {  	s12 =	sor.u32 $0x61800, s6;
	s25 =	simm.s32 $0x3;
	[dreg:$0x6] =	wrdreg s24  }
0x15: {  	v0 =	vimm.f32 $0.0e+00;
	s0 =	simm.s32 $0x0;
	[dreg:$0x7] =	wrdreg s10;
	s24 =	simm.s32 $0x4000  }
.LBB2_14:
0x16: {  	s0 =	sadd.s32 $0x1, s0  }
0x17: {  	p0 =	sne.s32 s0, s18  }
.Ltmp1:
0x18: {  	s2 =	rddreg [dreg:$0x8];
	(pc) =	sbr.rel @!p0 .LBB2_15-.Ltmp1, $4  }
0x19: {  	[hbm4b:s2+s19] =	stream.strided.scatter [tilespmem:s3], [sflag:$0x5], $0x4000, s20, s19, $0x38;
	[tilespmem:$0x1E700] =	vst v63  }
0x1a: {  	_ =	swait.ge [sflag:s31], $0x4000  }
0x1b: {  	[sflag:s31] =	ssyncset.done $0x0  }
0x1c: {  	[sflag:s31] =	ssyncadd.s32 $0xFFFFC000  }
.LBB2_1:
0x1d: {  	s2 =	rddreg [dreg:$0x5]  }
0x1e: {  	[tilespmem:s21], [sflag:$0x3] =	stream.strided.gather [hbm4b:s2+s19], $0xC300, s20, s19, $0x38;
	[tilespmem:$0x1E700] =	vst v63  }
0x1f: {  	s10 =	rddreg [dreg:$0x6]  }
0x20: {  	[tilespmem:s22], [sflag:$0x4] =	stream.strided.gather [hbm4b:s10+s19], $0xC380, s20, s19, $0x38;
	[tilespmem:$0x1E700] =	vst v63  }
0x21: {  	s11 =	rddreg [dreg:$0x7]  }
0x22: {  	[tilespmem:s23], [sflag:$0x4] =	stream.linear.gather [hbm4b:s11+s3], $0x80, $0x38;
	[tilespmem:$0x1E700] =	vst v63  }
0x23: {  	s17 =	rddreg [dreg:$0x4];
	s5 =	simm.s32 $0x0;
	s2 =	simm.s32 $0x40  }
0x24: {  	[tilespmem:s24], [sflag:$0x1] =	stream.linear.gather [hbm4b:s17+s3], $0x1000, $0x38;
	[tilespmem:$0x1E700] =	vst v63  }
.LBB2_2:
0x25: {  	p0 =	sne.s32 s2, $0xFFC0;
	[tilespmem:s5+$0x0] =	vst v0;
	s5 =	smov.u32 s2;
	s2 =	sadd.s32 $0x40, s2  }
.Ltmp2:
0x26: {  	(pc) =	sbr.rel @p0 .LBB2_2-.Ltmp2, $2  }
0x27: {  	_ =	sdelay $0x2  }
0x28: {  	s5 =	sshra.s32 s5, $0x2  }
0x29: {  	[tilespmem:s5+$0x0] =	vst v0;
	s2 =	simm.s32 $0x0;
	s5 =	simm.s32 $0x0  }
.LBB2_4:
0x2a: {  	_ =	swait.ge [sflag:s25], $0xC300  }
0x2b: {  	[sflag:s25] =	ssyncset.done $0x0  }
0x2c: {  	[sflag:s25] =	ssyncadd.s32 $0xFFFF3D00  }
0x2d: {  	_ =	swait.ge [sflag:s26], $0xC380  }
0x2e: {  	[sflag:s26] =	ssyncset.done $0x0  }
0x2f: {  	[sflag:s26] =	ssyncadd.s32 $0xFFFF3C80  }
0x30: {  	_ =	swait.ge [sflag:s26], $0x80  }
0x31: {  	[sflag:s26] =	ssyncset.done $0x0  }
0x32: {  	[sflag:s26] =	ssyncadd.s32 $0xFFFFFF80  }
0x33: {  	_ =	swait.ge [sflag:s28], $0x1000  }
0x34: {  	s9 =	sshll.u32 s5, $0xB;
	[sflag:s28] =	ssyncset.done $0x0  }
0x35: {  	s10 =	sadd.s32 s9, s13;
	[sflag:s28] =	ssyncadd.s32 $0xFFFFF000  }
0x36: {  	[tilespmem:s29], [sflag:$0x2] =	stream.linear.gather [hbm4b:s10+s2], $0x1000, $0x38;
	[tilespmem:$0x1E700] =	vst v63  }
0x37: {  	s10 =	simm.s32 $0x0  }
0x38: {  	v1 =	vld [tilespmem:s10+$0x4070]  }
0x39: {  	v2 =	vld [tilespmem:s10+$0x4000]  }
0x3a: {  	v3 =	vld [tilespmem:s10+$0x4010]  }
0x3b: {  	v4 =	vld [tilespmem:s10+$0x4020]  }
0x3c: {  	v5 =	vld [tilespmem:s10+$0x4030]  }
0x3d: {  	v6 =	vld [tilespmem:s10+$0x4040]  }
0x3e: {  	v7 =	vld [tilespmem:s10+$0x4050]  }
0x3f: {  	v8 =	vld [tilespmem:s10+$0x4060]  }
0x40: {  	v1 =	vld.idx.msk [tilespmem:v1+s21+$0x0], $0xffff  }
0x41: {  	v2 =	vld.idx.msk [tilespmem:v2+s21+$0x0], $0xffff  }
0x42: {  	v3 =	vld.idx.msk [tilespmem:v3+s21+$0x0], $0xffff  }
0x43: {  	v4 =	vld.idx.msk [tilespmem:v4+s21+$0x0], $0xffff  }
0x44: {  	v5 =	vld.idx.msk [tilespmem:v5+s21+$0x0], $0xffff  }
0x45: {  	v6 =	vld.idx.msk [tilespmem:v6+s21+$0x0], $0xffff  }
0x46: {  	v7 =	vld.idx.msk [tilespmem:v7+s21+$0x0], $0xffff  }
0x47: {  	[tilespmem:s10+$0x70] =	vst.add.f32.msk $0xffff, v1  }
0x48: {  	v1 =	vld.idx.msk [tilespmem:v8+s21+$0x0], $0xffff  }
0x49: {  	[tilespmem:s10+$0x0] =	vst.add.f32.msk $0xffff, v2  }
0x4a: {  	[tilespmem:s10+$0x10] =	vst.add.f32.msk $0xffff, v3  }
0x4b: {  	[tilespmem:s10+$0x20] =	vst.add.f32.msk $0xffff, v4  }
0x4c: {  	[tilespmem:s10+$0x30] =	vst.add.f32.msk $0xffff, v5  }
0x4d: {  	[tilespmem:s10+$0x40] =	vst.add.f32.msk $0xffff, v6  }
0x4e: {  	s11 =	simm.s32 $0x0;
	s17 =	simm.s32 $0x200;
	[tilespmem:s10+$0x50] =	vst.add.f32.msk $0xffff, v7  }
.LBB2_5:
0x4f: {  	s11 =	sadd.s32 $0x8, s11;
	[tilespmem:s10+$0x60] =	vst.add.f32.msk $0xffff, v1;
	s10 =	sshra.s32 s17, $0x2  }
0x50: {  	v1 =	vld [tilespmem:s10+$0x4070];
	p0 =	slt.u32 s11, $0xF8  }
0x51: {  	v2 =	vld [tilespmem:s10+$0x4000]  }
0x52: {  	v3 =	vld [tilespmem:s10+$0x4010]  }
0x53: {  	v4 =	vld [tilespmem:s10+$0x4020]  }
0x54: {  	v5 =	vld [tilespmem:s10+$0x4030]  }
0x55: {  	v6 =	vld [tilespmem:s10+$0x4040]  }
0x56: {  	v7 =	vld [tilespmem:s10+$0x4050]  }
0x57: {  	v8 =	vld [tilespmem:s10+$0x4060]  }
0x58: {  	v1 =	vld.idx.msk [tilespmem:v1+s21+$0x0], $0xffff  }
0x59: {  	v2 =	vld.idx.msk [tilespmem:v2+s21+$0x0], $0xffff  }
0x5a: {  	v3 =	vld.idx.msk [tilespmem:v3+s21+$0x0], $0xffff  }
0x5b: {  	v4 =	vld.idx.msk [tilespmem:v4+s21+$0x0], $0xffff  }
0x5c: {  	v5 =	vld.idx.msk [tilespmem:v5+s21+$0x0], $0xffff  }
0x5d: {  	v6 =	vld.idx.msk [tilespmem:v6+s21+$0x0], $0xffff  }
0x5e: {  	[tilespmem:s10+$0x70] =	vst.add.f32.msk $0xffff, v1  }
0x5f: {  	v7 =	vld.idx.msk [tilespmem:v7+s21+$0x0], $0xffff  }
0x60: {  	v1 =	vld.idx.msk [tilespmem:v8+s21+$0x0], $0xffff  }
0x61: {  	[tilespmem:s10+$0x0] =	vst.add.f32.msk $0xffff, v2  }
.Ltmp3:
0x62: {  	[tilespmem:s10+$0x10] =	vst.add.f32.msk $0xffff, v3;
	(pc) =	sbr.rel @p0 .LBB2_5-.Ltmp3, $4  }
0x63: {  	[tilespmem:s10+$0x20] =	vst.add.f32.msk $0xffff, v4  }
0x64: {  	[tilespmem:s10+$0x30] =	vst.add.f32.msk $0xffff, v5  }
0x65: {  	[tilespmem:s10+$0x40] =	vst.add.f32.msk $0xffff, v6  }
0x66: {  	s17 =	sadd.s32 $0x200, s17;
	[tilespmem:s10+$0x50] =	vst.add.f32.msk $0xffff, v7  }
0x67: {  	[tilespmem:s10+$0x60] =	vst.add.f32.msk $0xffff, v1  }
0x68: {  	_ =	swait.ge [sflag:s30], $0x1000  }
0x69: {  	s17 =	sadd.s32 s9, s14;
	[sflag:s30] =	ssyncset.done $0x0  }
0x6a: {  	s11 =	simm.s32 $0x0;
	s10 =	simm.s32 $0x0;
	[sflag:s30] =	ssyncadd.s32 $0xFFFFF000  }
0x6b: {  	[tilespmem:s24], [sflag:$0x1] =	stream.linear.gather [hbm4b:s17+s11], $0x1000, $0x38;
	[tilespmem:$0x1E700] =	vst v63  }
0x6c: {  	v1 =	vld [tilespmem:s10+$0x5070]  }
0x6d: {  	v2 =	vld [tilespmem:s10+$0x5000]  }
0x6e: {  	v3 =	vld [tilespmem:s10+$0x5010]  }
0x6f: {  	v4 =	vld [tilespmem:s10+$0x5020]  }
0x70: {  	v5 =	vld [tilespmem:s10+$0x5030]  }
0x71: {  	v6 =	vld [tilespmem:s10+$0x5040]  }
0x72: {  	v7 =	vld [tilespmem:s10+$0x5050]  }
0x73: {  	v8 =	vld [tilespmem:s10+$0x5060]  }
0x74: {  	v1 =	vld.idx.msk [tilespmem:v1+s21+$0x0], $0xffff  }
0x75: {  	v2 =	vld.idx.msk [tilespmem:v2+s21+$0x0], $0xffff  }
0x76: {  	v3 =	vld.idx.msk [tilespmem:v3+s21+$0x0], $0xffff  }
0x77: {  	v4 =	vld.idx.msk [tilespmem:v4+s21+$0x0], $0xffff  }
0x78: {  	v5 =	vld.idx.msk [tilespmem:v5+s21+$0x0], $0xffff  }
0x79: {  	v6 =	vld.idx.msk [tilespmem:v6+s21+$0x0], $0xffff  }
0x7a: {  	v7 =	vld.idx.msk [tilespmem:v7+s21+$0x0], $0xffff  }
0x7b: {  	[tilespmem:s10+$0x1070] =	vst.add.f32.msk $0xffff, v1  }
0x7c: {  	v1 =	vld.idx.msk [tilespmem:v8+s21+$0x0], $0xffff  }
0x7d: {  	[tilespmem:s10+$0x1000] =	vst.add.f32.msk $0xffff, v2  }
0x7e: {  	[tilespmem:s10+$0x1010] =	vst.add.f32.msk $0xffff, v3  }
0x7f: {  	[tilespmem:s10+$0x1020] =	vst.add.f32.msk $0xffff, v4  }
0x80: {  	[tilespmem:s10+$0x1030] =	vst.add.f32.msk $0xffff, v5  }
0x81: {  	[tilespmem:s10+$0x1040] =	vst.add.f32.msk $0xffff, v6  }
0x82: {  	s11 =	simm.s32 $0x0;
	s17 =	simm.s32 $0x200;
	[tilespmem:s10+$0x1050] =	vst.add.f32.msk $0xffff, v7  }
.LBB2_7:
0x83: {  	s11 =	sadd.s32 $0x8, s11;
	[tilespmem:s10+$0x1060] =	vst.add.f32.msk $0xffff, v1;
	s10 =	sshra.s32 s17, $0x2  }
0x84: {  	v1 =	vld [tilespmem:s10+$0x5070];
	p0 =	slt.u32 s11, $0xF8  }
0x85: {  	v2 =	vld [tilespmem:s10+$0x5000]  }
0x86: {  	v3 =	vld [tilespmem:s10+$0x5010]  }
0x87: {  	v4 =	vld [tilespmem:s10+$0x5020]  }
0x88: {  	v5 =	vld [tilespmem:s10+$0x5030]  }
0x89: {  	v6 =	vld [tilespmem:s10+$0x5040]  }
0x8a: {  	v7 =	vld [tilespmem:s10+$0x5050]  }
0x8b: {  	v8 =	vld [tilespmem:s10+$0x5060]  }
0x8c: {  	v1 =	vld.idx.msk [tilespmem:v1+s21+$0x0], $0xffff  }
0x8d: {  	v2 =	vld.idx.msk [tilespmem:v2+s21+$0x0], $0xffff  }
0x8e: {  	v3 =	vld.idx.msk [tilespmem:v3+s21+$0x0], $0xffff  }
0x8f: {  	v4 =	vld.idx.msk [tilespmem:v4+s21+$0x0], $0xffff  }
0x90: {  	v5 =	vld.idx.msk [tilespmem:v5+s21+$0x0], $0xffff  }
0x91: {  	v6 =	vld.idx.msk [tilespmem:v6+s21+$0x0], $0xffff  }
0x92: {  	[tilespmem:s10+$0x1070] =	vst.add.f32.msk $0xffff, v1  }
0x93: {  	v7 =	vld.idx.msk [tilespmem:v7+s21+$0x0], $0xffff  }
0x94: {  	v1 =	vld.idx.msk [tilespmem:v8+s21+$0x0], $0xffff  }
0x95: {  	[tilespmem:s10+$0x1000] =	vst.add.f32.msk $0xffff, v2  }
.Ltmp4:
0x96: {  	[tilespmem:s10+$0x1010] =	vst.add.f32.msk $0xffff, v3;
	(pc) =	sbr.rel @p0 .LBB2_7-.Ltmp4, $4  }
0x97: {  	[tilespmem:s10+$0x1020] =	vst.add.f32.msk $0xffff, v4  }
0x98: {  	[tilespmem:s10+$0x1030] =	vst.add.f32.msk $0xffff, v5  }
0x99: {  	[tilespmem:s10+$0x1040] =	vst.add.f32.msk $0xffff, v6  }
0x9a: {  	s17 =	sadd.s32 $0x200, s17;
	[tilespmem:s10+$0x1050] =	vst.add.f32.msk $0xffff, v7  }
0x9b: {  	[tilespmem:s10+$0x1060] =	vst.add.f32.msk $0xffff, v1  }
0x9c: {  	_ =	swait.ge [sflag:s28], $0x1000  }
0x9d: {  	s17 =	sadd.s32 s9, s15;
	[sflag:s28] =	ssyncset.done $0x0  }
0x9e: {  	s11 =	simm.s32 $0x0;
	s10 =	simm.s32 $0x0;
	[sflag:s28] =	ssyncadd.s32 $0xFFFFF000  }
0x9f: {  	[tilespmem:s29], [sflag:$0x2] =	stream.linear.gather [hbm4b:s17+s11], $0x1000, $0x38;
	[tilespmem:$0x1E700] =	vst v63  }
0xa0: {  	v1 =	vld [tilespmem:s10+$0x4070]  }
0xa1: {  	v2 =	vld [tilespmem:s10+$0x4000]  }
0xa2: {  	v3 =	vld [tilespmem:s10+$0x4010]  }
0xa3: {  	v4 =	vld [tilespmem:s10+$0x4020]  }
0xa4: {  	v5 =	vld [tilespmem:s10+$0x4030]  }
0xa5: {  	v6 =	vld [tilespmem:s10+$0x4040]  }
0xa6: {  	v7 =	vld [tilespmem:s10+$0x4050]  }
0xa7: {  	v8 =	vld [tilespmem:s10+$0x4060]  }
0xa8: {  	v1 =	vld.idx.msk [tilespmem:v1+s21+$0x0], $0xffff  }
0xa9: {  	v2 =	vld.idx.msk [tilespmem:v2+s21+$0x0], $0xffff  }
0xaa: {  	v3 =	vld.idx.msk [tilespmem:v3+s21+$0x0], $0xffff  }
0xab: {  	v4 =	vld.idx.msk [tilespmem:v4+s21+$0x0], $0xffff  }
0xac: {  	v5 =	vld.idx.msk [tilespmem:v5+s21+$0x0], $0xffff  }
0xad: {  	v6 =	vld.idx.msk [tilespmem:v6+s21+$0x0], $0xffff  }
0xae: {  	v7 =	vld.idx.msk [tilespmem:v7+s21+$0x0], $0xffff  }
0xaf: {  	[tilespmem:s10+$0x2070] =	vst.add.f32.msk $0xffff, v1  }
0xb0: {  	v1 =	vld.idx.msk [tilespmem:v8+s21+$0x0], $0xffff  }
0xb1: {  	[tilespmem:s10+$0x2000] =	vst.add.f32.msk $0xffff, v2  }
0xb2: {  	[tilespmem:s10+$0x2010] =	vst.add.f32.msk $0xffff, v3  }
0xb3: {  	[tilespmem:s10+$0x2020] =	vst.add.f32.msk $0xffff, v4  }
0xb4: {  	[tilespmem:s10+$0x2030] =	vst.add.f32.msk $0xffff, v5  }
0xb5: {  	[tilespmem:s10+$0x2040] =	vst.add.f32.msk $0xffff, v6  }
0xb6: {  	s11 =	simm.s32 $0x0;
	s17 =	simm.s32 $0x200;
	[tilespmem:s10+$0x2050] =	vst.add.f32.msk $0xffff, v7  }
.LBB2_9:
0xb7: {  	s11 =	sadd.s32 $0x8, s11;
	[tilespmem:s10+$0x2060] =	vst.add.f32.msk $0xffff, v1;
	s10 =	sshra.s32 s17, $0x2  }
0xb8: {  	v1 =	vld [tilespmem:s10+$0x4070];
	p0 =	slt.u32 s11, $0xF8  }
0xb9: {  	v2 =	vld [tilespmem:s10+$0x4000]  }
0xba: {  	v3 =	vld [tilespmem:s10+$0x4010]  }
0xbb: {  	v4 =	vld [tilespmem:s10+$0x4020]  }
0xbc: {  	v5 =	vld [tilespmem:s10+$0x4030]  }
0xbd: {  	v6 =	vld [tilespmem:s10+$0x4040]  }
0xbe: {  	v7 =	vld [tilespmem:s10+$0x4050]  }
0xbf: {  	v8 =	vld [tilespmem:s10+$0x4060]  }
0xc0: {  	v1 =	vld.idx.msk [tilespmem:v1+s21+$0x0], $0xffff  }
0xc1: {  	v2 =	vld.idx.msk [tilespmem:v2+s21+$0x0], $0xffff  }
0xc2: {  	v3 =	vld.idx.msk [tilespmem:v3+s21+$0x0], $0xffff  }
0xc3: {  	v4 =	vld.idx.msk [tilespmem:v4+s21+$0x0], $0xffff  }
0xc4: {  	v5 =	vld.idx.msk [tilespmem:v5+s21+$0x0], $0xffff  }
0xc5: {  	v6 =	vld.idx.msk [tilespmem:v6+s21+$0x0], $0xffff  }
0xc6: {  	[tilespmem:s10+$0x2070] =	vst.add.f32.msk $0xffff, v1  }
0xc7: {  	v7 =	vld.idx.msk [tilespmem:v7+s21+$0x0], $0xffff  }
0xc8: {  	v1 =	vld.idx.msk [tilespmem:v8+s21+$0x0], $0xffff  }
0xc9: {  	[tilespmem:s10+$0x2000] =	vst.add.f32.msk $0xffff, v2  }
.Ltmp5:
0xca: {  	[tilespmem:s10+$0x2010] =	vst.add.f32.msk $0xffff, v3;
	(pc) =	sbr.rel @p0 .LBB2_9-.Ltmp5, $4  }
0xcb: {  	[tilespmem:s10+$0x2020] =	vst.add.f32.msk $0xffff, v4  }
0xcc: {  	[tilespmem:s10+$0x2030] =	vst.add.f32.msk $0xffff, v5  }
0xcd: {  	[tilespmem:s10+$0x2040] =	vst.add.f32.msk $0xffff, v6  }
0xce: {  	s17 =	sadd.s32 $0x200, s17;
	[tilespmem:s10+$0x2050] =	vst.add.f32.msk $0xffff, v7  }
0xcf: {  	[tilespmem:s10+$0x2060] =	vst.add.f32.msk $0xffff, v1  }
0xd0: {  	p0 =	seq.s32 s5, $0x19;
	_ =	swait.ge [sflag:s30], $0x1000  }
0xd1: {  	s9 =	sadd.s32 @!p0 s9, s16;
	[sflag:s30] =	ssyncset.done $0x0  }
0xd2: {  	s10 =	simm.s32 @!p0 $0x0;
	s11 =	simm.s32 @!p0 $0x4000;
	[sflag:s30] =	ssyncadd.s32 $0xFFFFF000  }
0xd3: {  	[tilespmem:s11], [sflag:$0x1] =	stream.linear.gather @!p0 [hbm4b:s9+s10], $0x1000, $0x38;
	[tilespmem:$0x1E700] =	vst v63  }
0xd4: {  	s9 =	simm.s32 $0x0  }
0xd5: {  	v1 =	vld [tilespmem:s9+$0x5070]  }
0xd6: {  	v2 =	vld [tilespmem:s9+$0x5000]  }
0xd7: {  	v3 =	vld [tilespmem:s9+$0x5010]  }
0xd8: {  	v4 =	vld [tilespmem:s9+$0x5020]  }
0xd9: {  	v5 =	vld [tilespmem:s9+$0x5030]  }
0xda: {  	v6 =	vld [tilespmem:s9+$0x5040]  }
0xdb: {  	v7 =	vld [tilespmem:s9+$0x5050]  }
0xdc: {  	v8 =	vld [tilespmem:s9+$0x5060]  }
0xdd: {  	v1 =	vld.idx.msk [tilespmem:v1+s21+$0x0], $0xffff  }
0xde: {  	v2 =	vld.idx.msk [tilespmem:v2+s21+$0x0], $0xffff  }
0xdf: {  	v3 =	vld.idx.msk [tilespmem:v3+s21+$0x0], $0xffff  }
0xe0: {  	v4 =	vld.idx.msk [tilespmem:v4+s21+$0x0], $0xffff  }
0xe1: {  	v5 =	vld.idx.msk [tilespmem:v5+s21+$0x0], $0xffff  }
0xe2: {  	v6 =	vld.idx.msk [tilespmem:v6+s21+$0x0], $0xffff  }
0xe3: {  	v7 =	vld.idx.msk [tilespmem:v7+s21+$0x0], $0xffff  }
0xe4: {  	[tilespmem:s9+$0x3070] =	vst.add.f32.msk $0xffff, v1  }
0xe5: {  	v1 =	vld.idx.msk [tilespmem:v8+s21+$0x0], $0xffff  }
0xe6: {  	[tilespmem:s9+$0x3000] =	vst.add.f32.msk $0xffff, v2  }
0xe7: {  	[tilespmem:s9+$0x3010] =	vst.add.f32.msk $0xffff, v3  }
0xe8: {  	[tilespmem:s9+$0x3020] =	vst.add.f32.msk $0xffff, v4  }
0xe9: {  	[tilespmem:s9+$0x3030] =	vst.add.f32.msk $0xffff, v5  }
0xea: {  	[tilespmem:s9+$0x3040] =	vst.add.f32.msk $0xffff, v6  }
0xeb: {  	s10 =	simm.s32 $0x0;
	s11 =	simm.s32 $0x200;
	[tilespmem:s9+$0x3050] =	vst.add.f32.msk $0xffff, v7  }
.LBB2_11:
0xec: {  	s10 =	sadd.s32 $0x8, s10;
	[tilespmem:s9+$0x3060] =	vst.add.f32.msk $0xffff, v1;
	s9 =	sshra.s32 s11, $0x2  }
0xed: {  	v1 =	vld [tilespmem:s9+$0x5070];
	p1 =	slt.u32 s10, $0xF8  }
0xee: {  	v2 =	vld [tilespmem:s9+$0x5000]  }
0xef: {  	v3 =	vld [tilespmem:s9+$0x5010]  }
0xf0: {  	v4 =	vld [tilespmem:s9+$0x5020]  }
0xf1: {  	v5 =	vld [tilespmem:s9+$0x5030]  }
0xf2: {  	v6 =	vld [tilespmem:s9+$0x5040]  }
0xf3: {  	v7 =	vld [tilespmem:s9+$0x5050]  }
0xf4: {  	v8 =	vld [tilespmem:s9+$0x5060]  }
0xf5: {  	v1 =	vld.idx.msk [tilespmem:v1+s21+$0x0], $0xffff  }
0xf6: {  	v2 =	vld.idx.msk [tilespmem:v2+s21+$0x0], $0xffff  }
0xf7: {  	v3 =	vld.idx.msk [tilespmem:v3+s21+$0x0], $0xffff  }
0xf8: {  	v4 =	vld.idx.msk [tilespmem:v4+s21+$0x0], $0xffff  }
0xf9: {  	v5 =	vld.idx.msk [tilespmem:v5+s21+$0x0], $0xffff  }
0xfa: {  	v6 =	vld.idx.msk [tilespmem:v6+s21+$0x0], $0xffff  }
0xfb: {  	[tilespmem:s9+$0x3070] =	vst.add.f32.msk $0xffff, v1  }
0xfc: {  	v7 =	vld.idx.msk [tilespmem:v7+s21+$0x0], $0xffff  }
0xfd: {  	v1 =	vld.idx.msk [tilespmem:v8+s21+$0x0], $0xffff  }
0xfe: {  	[tilespmem:s9+$0x3000] =	vst.add.f32.msk $0xffff, v2  }
.Ltmp6:
0xff: {  	[tilespmem:s9+$0x3010] =	vst.add.f32.msk $0xffff, v3;
	(pc) =	sbr.rel @p1 .LBB2_11-.Ltmp6, $4  }
0x100: {  	[tilespmem:s9+$0x3020] =	vst.add.f32.msk $0xffff, v4  }
0x101: {  	[tilespmem:s9+$0x3030] =	vst.add.f32.msk $0xffff, v5  }
0x102: {  	[tilespmem:s9+$0x3040] =	vst.add.f32.msk $0xffff, v6  }
0x103: {  	s11 =	sadd.s32 $0x200, s11;
	[tilespmem:s9+$0x3050] =	vst.add.f32.msk $0xffff, v7  }
.Ltmp7:
0x104: {  	(pc) =	sbr.rel @p0 .LBB2_14-.Ltmp7, $2  }
0x105: {  	_ =	sdelay $0x2  }
0x106: {  	[tilespmem:s9+$0x3060] =	vst.add.f32.msk $0xffff, v1  }
0x107: {  	s5 =	sadd.s32 $0x1, s5  }
0x108: {  	s9 =	smul.u32 $0x30E000, s5;
	_ =	sdelay $0x1  }
0x109: {  	s9 =	sadd.s32 s4, s9  }
0x10a: {  	s10 =	sor.u32 s6, s9  }
0x10b: {  	s9 =	sadd.s32 s12, s9;
	s10 =	sshrl.u32 s10, $0x3  }
0x10c: {  	s9 =	sshrl.u32 s9, $0x3;
	s10 =	sadd.s32 s1, s10  }
0x10d: {  	[tilespmem:s21], [sflag:$0x3] =	stream.strided.gather [hbm4b:s10+s19], $0xC300, s20, s19, $0x38;
	[tilespmem:$0x1E700] =	vst v63  }
0x10e: {  	s9 =	sadd.s32 s1, s9  }
0x10f: {  	[tilespmem:s22], [sflag:$0x4] =	stream.strided.gather [hbm4b:s9+s19], $0xC380, s20, s19, $0x38;
	[tilespmem:$0x1E700] =	vst v63  }
.Ltmp8:
0x110: {  	s17 =	sshll.u32 s5, $0xC;
	(pc) =	sbr.rel .LBB2_4-.Ltmp8, $4  }
0x111: {  	s9 =	sor.u32 s8, s17  }
0x112: {  	s9 =	sshrl.u32 s9, $0x3  }
0x113: {  	s9 =	sadd.s32 s7, s9  }
0x114: {  	[tilespmem:s23], [sflag:$0x4] =	stream.linear.gather [hbm4b:s9+s3], $0x80, $0x38;
	[tilespmem:$0x1E700] =	vst v63  }
.LBB2_15:
0x115: {  	_ =	sfence.sel $0x180000  }
0x116: {  	[bflag:$0x0] =	sbarrier.arrive $0xFFFF  }
0x117: {  	_ =	strace $0x90000047  }
0x118: {  	s0 =	stileid.u32;
	[bflag:$0x2] =	sbarrier.arrive $0xFFFF  }
0x119: {  	p0 =	sne.s32 s0, $0x0;
	s0 =	rddreg [dreg:$0x3]  }
0x11a: {  	s0 =	sadd.s32 @!p0 $0x100000, s0  }
0x11b: {  	[sflag:s0] =	ssyncadd.tile.s32 @!p0 $0x1;
	_ =	shalt  }
.Lfunc_end2:
_tile_overlayer_lowered:
.L_overlay_start_2:
0x11c: {  	(tag) =	ssettag $0x2  }
0x11d: {  	s0 =	rddreg [dreg:$0x0];
	s2 =	stileid.u32  }
0x11e: {  	s1 =	rddreg [dreg:$0x1];
	p0 =	sne.s32 s2, $0x0  }
0x11f: {  	s3 =	rddreg [dreg:$0x2];
	[bflag:$0x3] =	sbarrier.arrive $0xFFFF;
	s2 =	simm.s32 @!p0 $0x1C05  }
0x120: {  	[timem:s3], [sflag:s2] =	dma.local @!p0 [hbm:s0], s1  }
0x121: {  	s0 =	simm.s32 @!p0 $0x5  }
0x122: {  	_ =	swait.ge @!p0 [sflag:s0], s1  }
0x123: {  	s1 =	ssub.s32 @!p0 $0x0, s1;
	[sflag:s0] =	ssyncset.done @!p0 $0x0  }
0x124: {  	[sflag:s0] =	ssyncadd.s32 @!p0 s1  }
0x125: {  	[bflag:$0x3] =	sbarrier.arrive $0xFFFF  }
0x126: {  	_ =	shalt  }

</sc_bundles>
